<compile_context>
chip_gen: v7x
topology: tpu7x:2x2x1
jax: 0.10.2.dev20260603
libtpu: 0.0.44.dev20260713+nightly
codegen_flags: <defaults>
</compile_context>

<pallas_src>
import functools

import jax
import jax.numpy as jnp
from jax import lax
from jax.experimental import pallas as pl
from jax.experimental.pallas import tpu as pltpu
from jax.experimental.pallas import tpu_sc as plsc

B, NC, L = 8, 8, 2048
MAX_OBJS, MAX_EDGES, NFEAT, NID = 128, 8192, 128, 32
OUT_DIM = 256
NTOK = B * NC * L
CROWS = MAX_EDGES + MAX_OBJS

_SC_WORKERS = 32
_TOK_PER_W = NTOK // _SC_WORKERS
_CHUNK = 128
_NCHUNK = _TOK_PER_W // _CHUNK


def _sc_gather(gidx2d, efeats_flat):
    mesh = plsc.VectorSubcoreMesh(core_axis_name="c", subcore_axis_name="s")

    @functools.partial(
        pl.kernel,
        out_type=jax.ShapeDtypeStruct((NTOK, NFEAT), jnp.float32),
        mesh=mesh,
        scratch_types=[
            pltpu.VMEM((_NCHUNK, _CHUNK), jnp.int32),
            pltpu.VMEM((_CHUNK, NFEAT), jnp.float32),
            pltpu.VMEM((_CHUNK, NFEAT), jnp.float32),
            pltpu.SemaphoreType.DMA,
            pltpu.SemaphoreType.DMA,
        ],
    )
    def k(gidx_hbm, tab_hbm, out_hbm, idx_v, rows0, rows1, sem0, sem1):
        wid = lax.axis_index("s") * 2 + lax.axis_index("c")
        base = wid * _TOK_PER_W
        pltpu.sync_copy(gidx_hbm.at[pl.ds(wid * _NCHUNK, _NCHUNK)], idx_v)

        bufs = (rows0, rows1)
        sems = (sem0, sem1)
        pltpu.async_copy(tab_hbm.at[idx_v.at[0]], rows0, sem0)
        pltpu.async_copy(tab_hbm.at[idx_v.at[1]], rows1, sem1)

        def body(jj, carry):
            for bsel in (0, 1):
                j = 2 * jj + bsel
                buf, sem = bufs[bsel], sems[bsel]
                pltpu.make_async_copy(tab_hbm.at[idx_v.at[0]], buf, sem).wait()
                pltpu.sync_copy(
                    buf, out_hbm.at[pl.ds(base + j * _CHUNK, _CHUNK)])

                @pl.when(j + 2 < _NCHUNK)
                def _():
                    pltpu.async_copy(tab_hbm.at[idx_v.at[j + 2]], buf, sem)
            return carry

        lax.fori_loop(0, _NCHUNK // 2, body, 0)

    return k(gidx2d, efeats_flat)


_HI = lax.Precision.HIGHEST
_TWO_PI_HI = 6.28125
_TWO_PI_LO = 0.0019353071795864769
_INV_2PI = 0.15915494309189535


def _fast_cos(x):
    k = jnp.floor(x * _INV_2PI + 0.5)
    r = (x - k * _TWO_PI_HI) - k * _TWO_PI_LO
    r2 = r * r
    p = jnp.float32(1.7368827487e-09)
    p = p * r2 + jnp.float32(-2.7113293594e-07)
    p = p * r2 + jnp.float32(2.4773416502e-05)
    p = p * r2 + jnp.float32(-1.3887970073e-03)
    p = p * r2 + jnp.float32(4.1666524298e-02)
    p = p * r2 + jnp.float32(-4.9999991767e-01)
    p = p * r2 + jnp.float32(9.9999999227e-01)
    return p


def _dg0(a, b, precision=None):
    return lax.dot_general(a, b, (((0,), (0,)), ((), ())),
                           precision=precision,
                           preferred_element_type=jnp.float32)


def _tc_body(pk_ref, time_t_ref, eg_ref, bbox_t_ref,
             nlup_ref, attr_W_ref, rhs12_ref,
             fmat_ref, ff_ref, pp_ref, nid_W_ref, temb_ref,
             out_ref):
    f32 = jnp.float32
    types_row = pk_ref[0, 0][0:1, :]
    ida_row = pk_ref[0, 0][1:2, :]
    idb_row = pk_ref[0, 0][2:3, :]

    iota3 = lax.broadcasted_iota(jnp.int32, (3, L), 0)
    oh_t_t = (iota3 == types_row).astype(f32)
    lhs12 = jnp.concatenate(
        [bbox_t_ref[0, 0], oh_t_t, jnp.ones((1, L), f32)], axis=0)
    bt = _dg0(lhs12, rhs12_ref[...])

    attr = jnp.dot(eg_ref[0, 0], attr_W_ref[...], preferred_element_type=f32)

    tt = time_t_ref[0, 0]
    mx = jnp.max(tt)
    base = mx * ff_ref[...] + pp_ref[...]
    tf = _dg0(tt, fmat_ref[...], precision=_HI)
    h01 = _fast_cos(base - tf)

    iota64 = lax.broadcasted_iota(jnp.int32, (2 * NID, L), 0)
    tgt = jnp.where(iota64 < NID, ida_row, idb_row)
    ohab = ((iota64 & (NID - 1)) == tgt).astype(f32)
    p_all = jnp.concatenate(
        [jnp.dot(nlup_ref[0, 0], nid_W_ref[0:NID, :],
                 preferred_element_type=f32),
         jnp.dot(nlup_ref[0, 0], nid_W_ref[NID:2 * NID, :],
                 preferred_element_type=f32)], axis=0)
    nid = _dg0(ohab, p_all)

    z32 = jnp.zeros((L, 32), f32)
    out_ref[0, 0] = jnp.concatenate([attr, z32, h01, nid], axis=-1) + bt


def kernel(num_objs, token_pair_idx, token_pair_time, token_types, token_eidx,
           nfeats_lup, efeats_lup, bbox_feats, idx_in_lookup, n_id_lookup,
           attr_W, attr_b, bbox_W, bbox_b, time_freq, time_phase,
           n_id_W, n_id_b, type_emb):
    del num_objs
    tt_i = token_types.astype(jnp.int32)
    local = jnp.where(tt_i == 1, token_eidx.astype(jnp.int32),
                      MAX_EDGES + token_pair_idx[..., 0].astype(jnp.int32))
    gidx = local + (jnp.arange(B, dtype=jnp.int32) * CROWS)[:, None, None]
    gidx2d = gidx.reshape(NTOK // _CHUNK, _CHUNK)
    ctab = jnp.concatenate([efeats_lup, nfeats_lup], axis=1)
    ctab_flat = ctab.reshape(B * CROWS, NFEAT)

    egather = _sc_gather(gidx2d, ctab_flat).reshape(B, NC, L, NFEAT)

    time_t = jnp.transpose(token_pair_time, (0, 1, 3, 2))
    bbox_t = jnp.transpose(bbox_feats, (0, 1, 3, 2))

    nli = idx_in_lookup.astype(jnp.int32)
    pk = jnp.stack([tt_i, nli[:, :, 0::2], nli[:, :, 1::2]], axis=2)

    half = time_freq.shape[0]
    z = jnp.zeros((half,), jnp.float32)
    fmat = jnp.stack([jnp.concatenate([time_freq, z]),
                      jnp.concatenate([z, time_freq])])
    ff = jnp.concatenate([time_freq, time_freq])
    pp = jnp.concatenate([time_phase, time_phase])
    bias256 = jnp.concatenate([attr_b, bbox_b, jnp.zeros((64,), jnp.float32),
                               n_id_b])
    rhs12 = jnp.zeros((12, OUT_DIM), jnp.float32)
    rhs12 = rhs12.at[0:8, 128:160].set(bbox_W)
    rhs12 = rhs12.at[8:11, :].set(type_emb)
    rhs12 = rhs12.at[11, :].set(bias256)
    grid = (B, NC)
    bnc = lambda b, c: (b, c, 0, 0)
    full2 = lambda r, c: pl.BlockSpec((r, c), lambda b, n: (0, 0))

    out = pl.pallas_call(
        _tc_body,
        grid=grid,
        in_specs=[
            pl.BlockSpec((1, 1, 3, L), bnc),
            pl.BlockSpec((1, 1, 2, L), bnc),
            pl.BlockSpec((1, 1, L, NFEAT), bnc),
            pl.BlockSpec((1, 1, 8, L), bnc),
            pl.BlockSpec((1, 1, NID, NID), bnc),
            full2(NFEAT, 128),
            full2(12, OUT_DIM),
            full2(2, 64),
            full2(1, 64),
            full2(1, 64),
            full2(2 * NID, 32),
            full2(3, OUT_DIM),
        ],
        out_specs=pl.BlockSpec((1, 1, L, OUT_DIM), bnc),
        out_shape=jax.ShapeDtypeStruct((B, NC, L, OUT_DIM), jnp.float32),
    )(
        pk, time_t, egather, bbox_t, n_id_lookup,
        attr_W, rhs12, fmat, ff.reshape(1, -1), pp.reshape(1, -1),
        n_id_W, type_emb,
    )
    return out

# --- scband reference (transcript-rebuilt; emitter-appended) ---
"""Pipeline reference for scband-moma-graph-tokenizer-29609504539321 (READ-ONLY COPY).

The authoritative reference and input builder live on the scoring server;
editing this copy changes nothing except your own understanding.
"""

import jax, jax.numpy as jnp
import numpy as np

B, NC, L = 8, 8, 2048
MAX_OBJS, MAX_EDGES, NFEAT, NID = 128, 8192, 128, 32
OUT_ATTR, OUT_BBOX, OUT_TIME, OUT_NID, OUT_DIM = 128, 32, 64, 32, 256


def setup_inputs(seed: int = 0):
    key = jax.random.key(seed)
    ks = jax.random.split(key, 13)
    num_objs = jnp.arange(MAX_OBJS)  # max(num_objs)+1 == MAX_OBJS
    token_pair_idx = jax.random.randint(ks[0], (B, NC, L, 2), 0, MAX_OBJS)
    token_pair_time = jax.random.uniform(ks[1], (B, NC, L, 2), dtype=jnp.float32) * 100.0
    token_types = jax.random.randint(ks[2], (B, NC, L), 0, 3)
    token_eidx = jax.random.randint(ks[3], (B, NC, L), 0, MAX_EDGES)
    nfeats_lup = jax.random.normal(ks[4], (B, MAX_OBJS, NFEAT), dtype=jnp.float32)
    efeats_lup = jax.random.normal(ks[5], (B, MAX_EDGES, NFEAT), dtype=jnp.float32)
    bbox_feats = jax.random.uniform(ks[6], (B, NC, L, 8), dtype=jnp.float32)
    idx_in_lookup = jax.random.randint(ks[7], (B, NC, 2 * L), 0, NID)
    n_id_lookup = jax.random.normal(ks[8], (B, NC, NID, NID), dtype=jnp.float32)
    attr_W = jax.random.normal(ks[9], (NFEAT, OUT_ATTR), dtype=jnp.float32) / np.sqrt(NFEAT)
    attr_b = jnp.zeros((OUT_ATTR,), jnp.float32)
    bbox_W = jax.random.normal(ks[10], (8, OUT_BBOX), dtype=jnp.float32) / np.sqrt(8.0)
    bbox_b = jnp.zeros((OUT_BBOX,), jnp.float32)
    time_freq = jnp.asarray(1.0 / 10.0 ** np.linspace(0, 9, OUT_TIME // 2), dtype=jnp.float32)
    time_phase = jnp.zeros((OUT_TIME // 2,), jnp.float32)
    n_id_W = jax.random.normal(ks[11], (2 * NID, OUT_NID), dtype=jnp.float32) / np.sqrt(2.0 * NID)
    n_id_b = jnp.zeros((OUT_NID,), jnp.float32)
    type_emb = jax.random.normal(ks[12], (3, OUT_DIM), dtype=jnp.float32)
    return {"num_objs": num_objs, "token_pair_idx": token_pair_idx, "token_pair_time": token_pair_time,
            "token_types": token_types, "token_eidx": token_eidx, "nfeats_lup": nfeats_lup,
            "efeats_lup": efeats_lup, "bbox_feats": bbox_feats, "idx_in_lookup": idx_in_lookup,
            "n_id_lookup": n_id_lookup, "attr_W": attr_W, "attr_b": attr_b, "bbox_W": bbox_W,
            "bbox_b": bbox_b, "time_freq": time_freq, "time_phase": time_phase,
            "n_id_W": n_id_W, "n_id_b": n_id_b, "type_emb": type_emb}


def reference(num_objs, token_pair_idx, token_pair_time, token_types, token_eidx,
              nfeats_lup, efeats_lup, bbox_feats, idx_in_lookup, n_id_lookup,
              attr_W, attr_b, bbox_W, bbox_b, time_freq, time_phase,
              n_id_W, n_id_b, type_emb):
    B_, NC_, L_, _ = token_pair_idx.shape
    b_idx = jnp.arange(B_)[:, None, None]
    # gather node feats by first node of each token pair
    single = token_pair_idx[:, :, :, 0]
    nfeats = nfeats_lup[b_idx, single]  # [B,NC,L,NFEAT]
    nonedge = (token_types == 0) | (token_types == 2)
    nfeats = jnp.where(nonedge[..., None], nfeats, 0.0)
    # gather edge feats
    efeats = efeats_lup[b_idx, token_eidx]  # [B,NC,L,EFEAT]
    efeats = jnp.where(nonedge[..., None], 0.0, efeats)
    # masked scatter into attr buffer (node feats where nonedge, edge feats elsewhere)
    attr_feats = jnp.where(nonedge[..., None], nfeats, efeats)
    # time encoding: phase relative to max time in clip
    tt = token_pair_time.reshape(B_ * NC_, L_ * 2)
    max_t = jnp.max(tt, axis=-1, keepdims=True)
    phase = max_t - tt
    harmonic = jnp.cos(phase[..., None] * time_freq + time_phase)  # [B*NC, 2L, T/2]
    time_feats = harmonic.reshape(B_, NC_, L_, -1)
    # node-id lookup gather
    NID_ = n_id_lookup.shape[-1]
    idx = jnp.broadcast_to(idx_in_lookup[..., None], (B_, NC_, 2 * L_, NID_))
    n_id_feats = jnp.take_along_axis(n_id_lookup, idx, axis=2).reshape(B_, NC_, L_, 2 * NID_)
    # type embedding lookup
    t_id_feats = type_emb[token_types]
    attr_out = attr_feats @ attr_W + attr_b
    bbox_out = bbox_feats @ bbox_W + bbox_b
    n_id_out = n_id_feats @ n_id_W + n_id_b
    tokens = jnp.concatenate([attr_out, bbox_out, time_feats, n_id_out], axis=-1) + t_id_feats
    return tokens

if __name__ == "__main__":
    import jax
    _d = setup_inputs()
    print(jax.jit(kernel)(*tuple(_d.values())))

</pallas_src>

<mosaic_0001>
#map = affine_map<(d0, d1) -> (0, 0)>
module attributes {stable_mosaic.version = 14 : i64} {
  func.func @k(%arg0: i32, %arg1: i32, %arg2: memref<1024x128xi32, #tpu.memory_space<hbm>>, %arg3: memref<66560x128xf32, #tpu.memory_space<hbm>>, %arg4: memref<131072x128xf32, #tpu.memory_space<hbm>>, %arg5: memref<32x128xi32, #tpu.memory_space<vmem>>, %arg6: memref<128x128xf32, #tpu.memory_space<vmem>>, %arg7: memref<128x128xf32, #tpu.memory_space<vmem>>, %arg8: memref<!tpu.dma_semaphore, #tpu.memory_space<semaphore_mem>>, %arg9: memref<!tpu.dma_semaphore, #tpu.memory_space<semaphore_mem>>) attributes {dimension_semantics = [#tpu.dimension_semantics<core_parallel>, #tpu.dimension_semantics<subcore_parallel>], iteration_bounds = array<i64: 2, 16>, scalar_prefetch = 0 : i64, scratch_operands = 5 : i64, tpu.core_type = #tpu.core_type<sc_vector_subcore>, window_params = [{transform_indices = #map}, {transform_indices = #map}, {transform_indices = #map}]} {
    %mul3A = arith.constant 2 : i32
    %mul3A_0 = arith.muli %arg1, %mul3A : i32
    %add3A = arith.addi %mul3A_0, %arg0 : i32
    %mul3A_1 = arith.constant 4096 : i32
    %mul3A_2 = arith.muli %add3A, %mul3A_1 : i32
    %mul3A_3 = arith.constant 32 : i32
    %mul3A_4 = arith.muli %add3A, %mul3A_3 : i32
    "tpu.region"() ({
      %run_scoped3A = tpu.sem_alloc : memref<!tpu.dma_semaphore, #tpu.memory_space<semaphore_mem>>
      %dma_start3A_23 = arith.constant 0 : i32
      %dma_start3A_24 = tpu.memref_slice %arg2[%mul3A_4, %dma_start3A_23] : memref<1024x128xi32, #tpu.memory_space<hbm>> -> memref<32x128xi32, #tpu.memory_space<hbm>>
      %dma_start3A_25 = arith.constant 0 : i32
      %dma_start3A_26 = tpu.memref_slice %arg2[%mul3A_4, %dma_start3A_25] : memref<1024x128xi32, #tpu.memory_space<hbm>> -> memref<32x128xi32, #tpu.memory_space<hbm>>
      tpu.enqueue_dma source(%dma_start3A_26 : memref<32x128xi32, #tpu.memory_space<hbm>>) target(%arg5 : memref<32x128xi32, #tpu.memory_space<vmem>>) target_semaphore(%run_scoped3A : memref<!tpu.dma_semaphore, #tpu.memory_space<semaphore_mem>>)
      %dma_wait3A = arith.constant 0 : i32
      %dma_wait3A_27 = tpu.memref_slice %arg2[%mul3A_4, %dma_wait3A] : memref<1024x128xi32, #tpu.memory_space<hbm>> -> memref<32x128xi32, #tpu.memory_space<hbm>>
      %dma_wait3A_28 = arith.constant 0 : i32
      %dma_wait3A_29 = tpu.memref_slice %arg2[%mul3A_4, %dma_wait3A_28] : memref<1024x128xi32, #tpu.memory_space<hbm>> -> memref<32x128xi32, #tpu.memory_space<hbm>>
      tpu.wait_dma2 semaphore(%run_scoped3A : memref<!tpu.dma_semaphore, #tpu.memory_space<semaphore_mem>>) src(%dma_wait3A_29 : memref<32x128xi32, #tpu.memory_space<hbm>>) dst(%arg5 : memref<32x128xi32, #tpu.memory_space<vmem>>)
      tpu.yield
    }) : () -> ()
    %dma_start3A = arith.constant 0 : i32
    %dma_start3A_5 = arith.constant 0 : i32
    %dma_start3A_6 = tpu.memref_slice %arg5[%dma_start3A, %dma_start3A_5] : memref<32x128xi32, #tpu.memory_space<vmem>> -> memref<1x128xi32, #tpu.memory_space<vmem>>
    %dma_start3A_7 = tpu.memref_squeeze %dma_start3A_6 : memref<1x128xi32, #tpu.memory_space<vmem>> -> memref<128xi32, #tpu.memory_space<vmem>>
    %dma_start3A_8 = arith.constant 0 : i32
    %dma_start3A_9 = arith.constant 0 : i32
    %dma_start3A_10 = tpu.memref_slice %arg3[%dma_start3A_8, %dma_start3A_9] : memref<66560x128xf32, #tpu.memory_space<hbm>> -> memref<66560x128xf32, #tpu.memory_space<hbm>>
    tpu.enqueue_indirect_dma source(%dma_start3A_10 : memref<66560x128xf32, #tpu.memory_space<hbm>>) target(%arg6 : memref<128x128xf32, #tpu.memory_space<vmem>>) offsets(%dma_start3A_7 : memref<128xi32, #tpu.memory_space<vmem>>) semaphore(%arg8 : memref<!tpu.dma_semaphore, #tpu.memory_space<semaphore_mem>>)
    %dma_start3A_11 = arith.constant 1 : i32
    %dma_start3A_12 = arith.constant 0 : i32
    %dma_start3A_13 = tpu.memref_slice %arg5[%dma_start3A_11, %dma_start3A_12] : memref<32x128xi32, #tpu.memory_space<vmem>> -> memref<1x128xi32, #tpu.memory_space<vmem>>
    %dma_start3A_14 = tpu.memref_squeeze %dma_start3A_13 : memref<1x128xi32, #tpu.memory_space<vmem>> -> memref<128xi32, #tpu.memory_space<vmem>>
    %dma_start3A_15 = arith.constant 0 : i32
    %dma_start3A_16 = arith.constant 0 : i32
    %dma_start3A_17 = tpu.memref_slice %arg3[%dma_start3A_15, %dma_start3A_16] : memref<66560x128xf32, #tpu.memory_space<hbm>> -> memref<66560x128xf32, #tpu.memory_space<hbm>>
    tpu.enqueue_indirect_dma source(%dma_start3A_17 : memref<66560x128xf32, #tpu.memory_space<hbm>>) target(%arg7 : memref<128x128xf32, #tpu.memory_space<vmem>>) offsets(%dma_start3A_14 : memref<128xi32, #tpu.memory_space<vmem>>) semaphore(%arg9 : memref<!tpu.dma_semaphore, #tpu.memory_space<semaphore_mem>>)
    %scan3A = arith.constant 0 : i32
    %scan3A_18 = arith.constant 0 : i32
    %scan3A_19 = arith.constant 16 : i32
    %scan3A_20 = arith.addi %scan3A_18, %scan3A_19 : i32
    %scan3A_21 = arith.constant 1 : i32
    scf.for %scan3A_23 = %scan3A_18 to %scan3A_20 step %scan3A_21  : i32 {
      %mul3A_24 = arith.constant 2 : i32
      %mul3A_25 = arith.muli %mul3A_24, %scan3A_23 : i32
      %add3A_26 = arith.constant 0 : i32
      %add3A_27 = arith.addi %mul3A_25, %add3A_26 : i32
      %dma_wait3A = arith.constant 0 : i32
      %dma_wait3A_28 = arith.constant 0 : i32
      %dma_wait3A_29 = tpu.memref_slice %arg5[%dma_wait3A, %dma_wait3A_28] : memref<32x128xi32, #tpu.memory_space<vmem>> -> memref<1x128xi32, #tpu.memory_space<vmem>>
      %dma_wait3A_30 = tpu.memref_squeeze %dma_wait3A_29 : memref<1x128xi32, #tpu.memory_space<vmem>> -> memref<128xi32, #tpu.memory_space<vmem>>
      %dma_wait3A_31 = arith.constant 0 : i32
      %dma_wait3A_32 = arith.constant 0 : i32
      %dma_wait3A_33 = tpu.memref_slice %arg3[%dma_wait3A_31, %dma_wait3A_32] : memref<66560x128xf32, #tpu.memory_space<hbm>> -> memref<66560x128xf32, #tpu.memory_space<hbm>>
      tpu.wait_indirect_dma semaphore(%arg8 : memref<!tpu.dma_semaphore, #tpu.memory_space<semaphore_mem>>) src(%dma_wait3A_33 : memref<66560x128xf32, #tpu.memory_space<hbm>>) dst(%arg6 : memref<128x128xf32, #tpu.memory_space<vmem>>)
      %mul3A_34 = arith.constant 128 : i32
      %mul3A_35 = arith.muli %add3A_27, %mul3A_34 : i32
      %add3A_36 = arith.addi %mul3A_2, %mul3A_35 : i32
      "tpu.region"() ({
        %run_scoped3A = tpu.sem_alloc : memref<!tpu.dma_semaphore, #tpu.memory_space<semaphore_mem>>
        %dma_start3A_62 = arith.constant 0 : i32
        %dma_start3A_63 = tpu.memref_slice %arg4[%add3A_36, %dma_start3A_62] : memref<131072x128xf32, #tpu.memory_space<hbm>> -> memref<128x128xf32, #tpu.memory_space<hbm>>
        %dma_start3A_64 = arith.constant 0 : i32
        %dma_start3A_65 = tpu.memref_slice %arg4[%add3A_36, %dma_start3A_64] : memref<131072x128xf32, #tpu.memory_space<hbm>> -> memref<128x128xf32, #tpu.memory_space<hbm>>
        tpu.enqueue_dma source(%arg6 : memref<128x128xf32, #tpu.memory_space<vmem>>) target(%dma_start3A_65 : memref<128x128xf32, #tpu.memory_space<hbm>>) target_semaphore(%run_scoped3A : memref<!tpu.dma_semaphore, #tpu.memory_space<semaphore_mem>>)
        %dma_wait3A_66 = arith.constant 0 : i32
        %dma_wait3A_67 = tpu.memref_slice %arg4[%add3A_36, %dma_wait3A_66] : memref<131072x128xf32, #tpu.memory_space<hbm>> -> memref<128x128xf32, #tpu.memory_space<hbm>>
        %dma_wait3A_68 = arith.constant 0 : i32
        %dma_wait3A_69 = tpu.memref_slice %arg4[%add3A_36, %dma_wait3A_68] : memref<131072x128xf32, #tpu.memory_space<hbm>> -> memref<128x128xf32, #tpu.memory_space<hbm>>
        tpu.wait_dma2 semaphore(%run_scoped3A : memref<!tpu.dma_semaphore, #tpu.memory_space<semaphore_mem>>) src(%arg6 : memref<128x128xf32, #tpu.memory_space<vmem>>) dst(%dma_wait3A_69 : memref<128x128xf32, #tpu.memory_space<hbm>>)
        tpu.yield
      }) : () -> ()
      %add3A_37 = arith.constant 2 : i32
      %add3A_38 = arith.addi %add3A_27, %add3A_37 : i32
      %lt3A = arith.constant 32 : i32
      %lt3A_39 = arith.cmpi slt, %add3A_38, %lt3A : i32
      %convert_element_type3A = arith.extui %lt3A_39 : i1 to i32
      %cond3A = arith.constant 0 : i32
      %cond3A_40 = arith.cmpi ne, %convert_element_type3A, %cond3A : i32
      scf.if %cond3A_40 {
        %add3A_62 = arith.constant 2 : i32
        %add3A_63 = arith.addi %add3A_27, %add3A_62 : i32
        %dma_start3A_64 = arith.constant 0 : i32
        %dma_start3A_65 = tpu.memref_slice %arg5[%add3A_63, %dma_start3A_64] : memref<32x128xi32, #tpu.memory_space<vmem>> -> memref<1x128xi32, #tpu.memory_space<vmem>>
        %dma_start3A_66 = tpu.memref_squeeze %dma_start3A_65 : memref<1x128xi32, #tpu.memory_space<vmem>> -> memref<128xi32, #tpu.memory_space<vmem>>
        %dma_start3A_67 = arith.constant 0 : i32
        %dma_start3A_68 = arith.constant 0 : i32
        %dma_start3A_69 = tpu.memref_slice %arg3[%dma_start3A_67, %dma_start3A_68] : memref<66560x128xf32, #tpu.memory_space<hbm>> -> memref<66560x128xf32, #tpu.memory_space<hbm>>
        tpu.enqueue_indirect_dma source(%dma_start3A_69 : memref<66560x128xf32, #tpu.memory_space<hbm>>) target(%arg6 : memref<128x128xf32, #tpu.memory_space<vmem>>) offsets(%dma_start3A_66 : memref<128xi32, #tpu.memory_space<vmem>>) semaphore(%arg8 : memref<!tpu.dma_semaphore, #tpu.memory_space<semaphore_mem>>)
      } else {
      }
      %mul3A_41 = arith.constant 2 : i32
      %mul3A_42 = arith.muli %mul3A_41, %scan3A_23 : i32
      %add3A_43 = arith.constant 1 : i32
      %add3A_44 = arith.addi %mul3A_42, %add3A_43 : i32
      %dma_wait3A_45 = arith.constant 0 : i32
      %dma_wait3A_46 = arith.constant 0 : i32
      %dma_wait3A_47 = tpu.memref_slice %arg5[%dma_wait3A_45, %dma_wait3A_46] : memref<32x128xi32, #tpu.memory_space<vmem>> -> memref<1x128xi32, #tpu.memory_space<vmem>>
      %dma_wait3A_48 = tpu.memref_squeeze %dma_wait3A_47 : memref<1x128xi32, #tpu.memory_space<vmem>> -> memref<128xi32, #tpu.memory_space<vmem>>
      %dma_wait3A_49 = arith.constant 0 : i32
      %dma_wait3A_50 = arith.constant 0 : i32
      %dma_wait3A_51 = tpu.memref_slice %arg3[%dma_wait3A_49, %dma_wait3A_50] : memref<66560x128xf32, #tpu.memory_space<hbm>> -> memref<66560x128xf32, #tpu.memory_space<hbm>>
      tpu.wait_indirect_dma semaphore(%arg9 : memref<!tpu.dma_semaphore, #tpu.memory_space<semaphore_mem>>) src(%dma_wait3A_51 : memref<66560x128xf32, #tpu.memory_space<hbm>>) dst(%arg7 : memref<128x128xf32, #tpu.memory_space<vmem>>)
      %mul3A_52 = arith.constant 128 : i32
      %mul3A_53 = arith.muli %add3A_44, %mul3A_52 : i32
      %add3A_54 = arith.addi %mul3A_2, %mul3A_53 : i32
      "tpu.region"() ({
        %run_scoped3A = tpu.sem_alloc : memref<!tpu.dma_semaphore, #tpu.memory_space<semaphore_mem>>
        %dma_start3A_62 = arith.constant 0 : i32
        %dma_start3A_63 = tpu.memref_slice %arg4[%add3A_54, %dma_start3A_62] : memref<131072x128xf32, #tpu.memory_space<hbm>> -> memref<128x128xf32, #tpu.memory_space<hbm>>
        %dma_start3A_64 = arith.constant 0 : i32
        %dma_start3A_65 = tpu.memref_slice %arg4[%add3A_54, %dma_start3A_64] : memref<131072x128xf32, #tpu.memory_space<hbm>> -> memref<128x128xf32, #tpu.memory_space<hbm>>
        tpu.enqueue_dma source(%arg7 : memref<128x128xf32, #tpu.memory_space<vmem>>) target(%dma_start3A_65 : memref<128x128xf32, #tpu.memory_space<hbm>>) target_semaphore(%run_scoped3A : memref<!tpu.dma_semaphore, #tpu.memory_space<semaphore_mem>>)
        %dma_wait3A_66 = arith.constant 0 : i32
        %dma_wait3A_67 = tpu.memref_slice %arg4[%add3A_54, %dma_wait3A_66] : memref<131072x128xf32, #tpu.memory_space<hbm>> -> memref<128x128xf32, #tpu.memory_space<hbm>>
        %dma_wait3A_68 = arith.constant 0 : i32
        %dma_wait3A_69 = tpu.memref_slice %arg4[%add3A_54, %dma_wait3A_68] : memref<131072x128xf32, #tpu.memory_space<hbm>> -> memref<128x128xf32, #tpu.memory_space<hbm>>
        tpu.wait_dma2 semaphore(%run_scoped3A : memref<!tpu.dma_semaphore, #tpu.memory_space<semaphore_mem>>) src(%arg7 : memref<128x128xf32, #tpu.memory_space<vmem>>) dst(%dma_wait3A_69 : memref<128x128xf32, #tpu.memory_space<hbm>>)
        tpu.yield
      }) : () -> ()
      %add3A_55 = arith.constant 2 : i32
      %add3A_56 = arith.addi %add3A_44, %add3A_55 : i32
      %lt3A_57 = arith.constant 32 : i32
      %lt3A_58 = arith.cmpi slt, %add3A_56, %lt3A_57 : i32
      %convert_element_type3A_59 = arith.extui %lt3A_58 : i1 to i32
      %cond3A_60 = arith.constant 0 : i32
      %cond3A_61 = arith.cmpi ne, %convert_element_type3A_59, %cond3A_60 : i32
      scf.if %cond3A_61 {
        %add3A_62 = arith.constant 2 : i32
        %add3A_63 = arith.addi %add3A_44, %add3A_62 : i32
        %dma_start3A_64 = arith.constant 0 : i32
        %dma_start3A_65 = tpu.memref_slice %arg5[%add3A_63, %dma_start3A_64] : memref<32x128xi32, #tpu.memory_space<vmem>> -> memref<1x128xi32, #tpu.memory_space<vmem>>
        %dma_start3A_66 = tpu.memref_squeeze %dma_start3A_65 : memref<1x128xi32, #tpu.memory_space<vmem>> -> memref<128xi32, #tpu.memory_space<vmem>>
        %dma_start3A_67 = arith.constant 0 : i32
        %dma_start3A_68 = arith.constant 0 : i32
        %dma_start3A_69 = tpu.memref_slice %arg3[%dma_start3A_67, %dma_start3A_68] : memref<66560x128xf32, #tpu.memory_space<hbm>> -> memref<66560x128xf32, #tpu.memory_space<hbm>>
        tpu.enqueue_indirect_dma source(%dma_start3A_69 : memref<66560x128xf32, #tpu.memory_space<hbm>>) target(%arg7 : memref<128x128xf32, #tpu.memory_space<vmem>>) offsets(%dma_start3A_66 : memref<128xi32, #tpu.memory_space<vmem>>) semaphore(%arg9 : memref<!tpu.dma_semaphore, #tpu.memory_space<semaphore_mem>>)
      } else {
      }
    }
    %scan3A_22 = arith.constant 16 : i32
    return
  }
}

module attributes {stable_mosaic.version = 14 : i64} {
  func.func @_tc_body(%arg0: i32, %arg1: i32, %arg2: memref<1x1x3x2048xi32, #tpu.memory_space<vmem>>, %arg3: memref<1x1x2x2048xf32, #tpu.memory_space<vmem>>, %arg4: memref<1x1x2048x128xf32, #tpu.memory_space<vmem>>, %arg5: memref<1x1x8x2048xf32, #tpu.memory_space<vmem>>, %arg6: memref<1x1x32x32xf32, #tpu.memory_space<vmem>>, %arg7: memref<128x128xf32, #tpu.memory_space<vmem>>, %arg8: memref<12x256xf32, #tpu.memory_space<vmem>>, %arg9: memref<2x64xf32, #tpu.memory_space<vmem>>, %arg10: memref<1x64xf32, #tpu.memory_space<vmem>>, %arg11: memref<1x64xf32, #tpu.memory_space<vmem>>, %arg12: memref<64x32xf32, #tpu.memory_space<vmem>>, %arg13: memref<3x256xf32, #tpu.memory_space<vmem>>, %arg14: memref<1x1x2048x256xf32, #tpu.memory_space<vmem>>) attributes {dimension_semantics = [#tpu.dimension_semantics<arbitrary>, #tpu.dimension_semantics<arbitrary>], iteration_bounds = array<i64: 8, 8>, scalar_prefetch = 0 : i64, scratch_operands = 0 : i64, tpu.core_type = #tpu.core_type<tc>, window_params = [{transform_indices = @transform_0, window_bounds = array<i64: 1, 1, 3, 2048>}, {transform_indices = @transform_1, window_bounds = array<i64: 1, 1, 2, 2048>}, {transform_indices = @transform_2, window_bounds = array<i64: 1, 1, 2048, 128>}, {transform_indices = @transform_3, window_bounds = array<i64: 1, 1, 8, 2048>}, {transform_indices = @transform_4, window_bounds = array<i64: 1, 1, 32, 32>}, {pipeline_mode = #tpu.pipeline_mode<synchronous>, transform_indices = @transform_5, window_bounds = array<i64: 128, 128>}, {pipeline_mode = #tpu.pipeline_mode<synchronous>, transform_indices = @transform_6, window_bounds = array<i64: 12, 256>}, {pipeline_mode = #tpu.pipeline_mode<synchronous>, transform_indices = @transform_7, window_bounds = array<i64: 2, 64>}, {pipeline_mode = #tpu.pipeline_mode<synchronous>, transform_indices = @transform_8, window_bounds = array<i64: 1, 64>}, {pipeline_mode = #tpu.pipeline_mode<synchronous>, transform_indices = @transform_9, window_bounds = array<i64: 1, 64>}, {pipeline_mode = #tpu.pipeline_mode<synchronous>, transform_indices = @transform_10, window_bounds = array<i64: 64, 32>}, {pipeline_mode = #tpu.pipeline_mode<synchronous>, transform_indices = @transform_11, window_bounds = array<i64: 3, 256>}, {transform_indices = @transform_12, window_bounds = array<i64: 1, 1, 2048, 256>}]} {
    %get3A = arith.constant 0 : index
    %get3A_0 = arith.constant 0 : index
    %get3A_1 = arith.constant 0 : index
    %get3A_2 = arith.constant 0 : index
    %get3A_3 = vector.load %arg2[%get3A, %get3A_0, %get3A_1, %get3A_2] : memref<1x1x3x2048xi32, #tpu.memory_space<vmem>>, vector<1x1x3x2048xi32>
    %get3A_4 = vector.shape_cast %get3A_3 : vector<1x1x3x2048xi32> to vector<3x2048xi32>
    %slice3A = vector.extract_strided_slice %get3A_4 {offsets = [0, 0], sizes = [1, 2048], strides = [1, 1]} : vector<3x2048xi32> to vector<1x2048xi32>
    %get3A_5 = arith.constant 0 : index
    %get3A_6 = arith.constant 0 : index
    %get3A_7 = arith.constant 0 : index
    %get3A_8 = arith.constant 0 : index
    %get3A_9 = vector.load %arg2[%get3A_5, %get3A_6, %get3A_7, %get3A_8] : memref<1x1x3x2048xi32, #tpu.memory_space<vmem>>, vector<1x1x3x2048xi32>
    %get3A_10 = vector.shape_cast %get3A_9 : vector<1x1x3x2048xi32> to vector<3x2048xi32>
    %slice3A_11 = vector.extract_strided_slice %get3A_10 {offsets = [1, 0], sizes = [1, 2048], strides = [1, 1]} : vector<3x2048xi32> to vector<1x2048xi32>
    %get3A_12 = arith.constant 0 : index
    %get3A_13 = arith.constant 0 : index
    %get3A_14 = arith.constant 0 : index
    %get3A_15 = arith.constant 0 : index
    %get3A_16 = vector.load %arg2[%get3A_12, %get3A_13, %get3A_14, %get3A_15] : memref<1x1x3x2048xi32, #tpu.memory_space<vmem>>, vector<1x1x3x2048xi32>
    %get3A_17 = vector.shape_cast %get3A_16 : vector<1x1x3x2048xi32> to vector<3x2048xi32>
    %slice3A_18 = vector.extract_strided_slice %get3A_17 {offsets = [2, 0], sizes = [1, 2048], strides = [1, 1]} : vector<3x2048xi32> to vector<1x2048xi32>
    %iota3A = tpu.iota {dimensions = array<i32: 0>} : vector<3x2048xi32>
    %eq3A = vector.broadcast %slice3A : vector<1x2048xi32> to vector<3x2048xi32>
    %eq3A_19 = arith.cmpi eq, %iota3A, %eq3A : vector<3x2048xi32>
    %convert_element_type3A = arith.extui %eq3A_19 : vector<3x2048xi1> to vector<3x2048xi32>
    %convert_element_type3A_20 = arith.sitofp %convert_element_type3A : vector<3x2048xi32> to vector<3x2048xf32>
    %get3A_21 = arith.constant 0 : index
    %get3A_22 = arith.constant 0 : index
    %get3A_23 = arith.constant 0 : index
    %get3A_24 = arith.constant 0 : index
    %get3A_25 = vector.load %arg5[%get3A_21, %get3A_22, %get3A_23, %get3A_24] : memref<1x1x8x2048xf32, #tpu.memory_space<vmem>>, vector<1x1x8x2048xf32>
    %get3A_26 = vector.shape_cast %get3A_25 : vector<1x1x8x2048xf32> to vector<8x2048xf32>
    %broadcast_in_dim3A = arith.constant 1.000000e+00 : f32
    %broadcast_in_dim3A_27 = vector.broadcast %broadcast_in_dim3A : f32 to vector<1x2048xf32>
    %concatenate3A = tpu.concatenate %get3A_26, %convert_element_type3A_20, %broadcast_in_dim3A_27 in 0 : vector<8x2048xf32>, vector<3x2048xf32>, vector<1x2048xf32> -> vector<12x2048xf32>
    %get3A_28 = arith.constant 0 : index
    %get3A_29 = arith.constant 0 : index
    %get3A_30 = vector.load %arg8[%get3A_28, %get3A_29] : memref<12x256xf32, #tpu.memory_space<vmem>>, vector<12x256xf32>
    %dot_general3A = arith.constant dense<0.000000e+00> : vector<2048x256xf32>
    %dot_general3A_31 = tpu.matmul %concatenate3A, %get3A_30, %dot_general3A {dimension_numbers = #tpu.dot_dimension_numbers<[0], [0], [1], [1], [0, 1, 1, 1], [], []>, transpose_lhs_hint = false} : vector<12x2048xf32>, vector<12x256xf32>, vector<2048x256xf32> -> vector<2048x256xf32>
    %get3A_32 = arith.constant 0 : index
    %get3A_33 = arith.constant 0 : index
    %get3A_34 = arith.constant 0 : index
    %get3A_35 = arith.constant 0 : index
    %get3A_36 = vector.load %arg4[%get3A_32, %get3A_33, %get3A_34, %get3A_35] : memref<1x1x2048x128xf32, #tpu.memory_space<vmem>>, vector<1x1x2048x128xf32>
    %get3A_37 = vector.shape_cast %get3A_36 : vector<1x1x2048x128xf32> to vector<2048x128xf32>
    %get3A_38 = arith.constant 0 : index
    %get3A_39 = arith.constant 0 : index
    %get3A_40 = vector.load %arg7[%get3A_38, %get3A_39] : memref<128x128xf32, #tpu.memory_space<vmem>>, vector<128x128xf32>
    %dot_general3A_41 = arith.constant dense<0.000000e+00> : vector<2048x128xf32>
    %dot_general3A_42 = tpu.matmul %get3A_37, %get3A_40, %dot_general3A_41 {dimension_numbers = #tpu.dot_dimension_numbers<[1], [0], [0], [1], [0, 0, 1, 1], [], []>, transpose_lhs_hint = false} : vector<2048x128xf32>, vector<128x128xf32>, vector<2048x128xf32> -> vector<2048x128xf32>
    %get3A_43 = arith.constant 0 : index
    %get3A_44 = arith.constant 0 : index
    %get3A_45 = arith.constant 0 : index
    %get3A_46 = arith.constant 0 : index
    %get3A_47 = vector.load %arg3[%get3A_43, %get3A_44, %get3A_45, %get3A_46] : memref<1x1x2x2048xf32, #tpu.memory_space<vmem>>, vector<1x1x2x2048xf32>
    %get3A_48 = vector.shape_cast %get3A_47 : vector<1x1x2x2048xf32> to vector<2x2048xf32>
    %reduce_max3A = vector.shape_cast %get3A_48 : vector<2x2048xf32> to vector<1x2x2048xf32>
    %reduce_max3A_49 = arith.constant dense<0xFF800000> : vector<1xf32>
    %reduce_max3A_50 = vector.multi_reduction <maximumf>, %reduce_max3A, %reduce_max3A_49 [1, 2] : vector<1x2x2048xf32> to vector<1xf32>
    %reduce_max3A_51 = vector.shape_cast %reduce_max3A_50 : vector<1xf32> to vector<1x1x1xf32>
    %reduce_max3A_52 = vector.extract %reduce_max3A_51[0, 0, 0] : f32 from vector<1x1x1xf32>
    %get3A_53 = arith.constant 0 : index
    %get3A_54 = arith.constant 0 : index
    %get3A_55 = vector.load %arg10[%get3A_53, %get3A_54] : memref<1x64xf32, #tpu.memory_space<vmem>>, vector<1x64xf32>
    %mul3A = vector.broadcast %reduce_max3A_52 : f32 to vector<1x64xf32>
    %mul3A_56 = arith.mulf %mul3A, %get3A_55 : vector<1x64xf32>
    %get3A_57 = arith.constant 0 : index
    %get3A_58 = arith.constant 0 : index
    %get3A_59 = vector.load %arg11[%get3A_57, %get3A_58] : memref<1x64xf32, #tpu.memory_space<vmem>>, vector<1x64xf32>
    %add3A = arith.addf %mul3A_56, %get3A_59 : vector<1x64xf32>
    %get3A_60 = arith.constant 0 : index
    %get3A_61 = arith.constant 0 : index
    %get3A_62 = vector.load %arg9[%get3A_60, %get3A_61] : memref<2x64xf32, #tpu.memory_space<vmem>>, vector<2x64xf32>
    %dot_general3A_63 = arith.constant dense<0.000000e+00> : vector<2048x64xf32>
    %dot_general3A_64 = tpu.matmul %get3A_48, %get3A_62, %dot_general3A_63 {dimension_numbers = #tpu.dot_dimension_numbers<[0], [0], [1], [1], [0, 1, 1, 1], [], []>, precision = #tpu.contract_precision<fp32>, transpose_lhs_hint = false} : vector<2x2048xf32>, vector<2x64xf32>, vector<2048x64xf32> -> vector<2048x64xf32>
    %sub3A = vector.broadcast %add3A : vector<1x64xf32> to vector<2048x64xf32>
    %sub3A_65 = arith.subf %sub3A, %dot_general3A_64 : vector<2048x64xf32>
    %mul3A_66 = arith.constant 0.159154937 : f32
    %mul3A_67 = vector.broadcast %mul3A_66 : f32 to vector<2048x64xf32>
    %mul3A_68 = arith.mulf %sub3A_65, %mul3A_67 : vector<2048x64xf32>
    %add3A_69 = arith.constant 5.000000e-01 : f32
    %add3A_70 = vector.broadcast %add3A_69 : f32 to vector<2048x64xf32>
    %add3A_71 = arith.addf %mul3A_68, %add3A_70 : vector<2048x64xf32>
    %floor3A = math.floor %add3A_71 : vector<2048x64xf32>
    %mul3A_72 = arith.constant 6.281250e+00 : f32
    %mul3A_73 = vector.broadcast %mul3A_72 : f32 to vector<2048x64xf32>
    %mul3A_74 = arith.mulf %floor3A, %mul3A_73 : vector<2048x64xf32>
    %sub3A_75 = arith.subf %sub3A_65, %mul3A_74 : vector<2048x64xf32>
    %mul3A_76 = arith.constant 0.00193530717 : f32
    %mul3A_77 = vector.broadcast %mul3A_76 : f32 to vector<2048x64xf32>
    %mul3A_78 = arith.mulf %floor3A, %mul3A_77 : vector<2048x64xf32>
    %sub3A_79 = arith.subf %sub3A_75, %mul3A_78 : vector<2048x64xf32>
    %mul3A_80 = arith.mulf %sub3A_79, %sub3A_79 : vector<2048x64xf32>
    %mul3A_81 = arith.constant 1.73688275E-9 : f32
    %mul3A_82 = vector.broadcast %mul3A_81 : f32 to vector<2048x64xf32>
    %mul3A_83 = arith.mulf %mul3A_82, %mul3A_80 : vector<2048x64xf32>
    %add3A_84 = arith.constant -2.71132933E-7 : f32
    %add3A_85 = vector.broadcast %add3A_84 : f32 to vector<2048x64xf32>
    %add3A_86 = arith.addf %mul3A_83, %add3A_85 : vector<2048x64xf32>
    %mul3A_87 = arith.mulf %add3A_86, %mul3A_80 : vector<2048x64xf32>
    %add3A_88 = arith.constant 2.4773417E-5 : f32
    %add3A_89 = vector.broadcast %add3A_88 : f32 to vector<2048x64xf32>
    %add3A_90 = arith.addf %mul3A_87, %add3A_89 : vector<2048x64xf32>
    %mul3A_91 = arith.mulf %add3A_90, %mul3A_80 : vector<2048x64xf32>
    %add3A_92 = arith.constant -0.00138879695 : f32
    %add3A_93 = vector.broadcast %add3A_92 : f32 to vector<2048x64xf32>
    %add3A_94 = arith.addf %mul3A_91, %add3A_93 : vector<2048x64xf32>
    %mul3A_95 = arith.mulf %add3A_94, %mul3A_80 : vector<2048x64xf32>
    %add3A_96 = arith.constant 0.0416665226 : f32
    %add3A_97 = vector.broadcast %add3A_96 : f32 to vector<2048x64xf32>
    %add3A_98 = arith.addf %mul3A_95, %add3A_97 : vector<2048x64xf32>
    %mul3A_99 = arith.mulf %add3A_98, %mul3A_80 : vector<2048x64xf32>
    %add3A_100 = arith.constant -0.499999911 : f32
    %add3A_101 = vector.broadcast %add3A_100 : f32 to vector<2048x64xf32>
    %add3A_102 = arith.addf %mul3A_99, %add3A_101 : vector<2048x64xf32>
    %mul3A_103 = arith.mulf %add3A_102, %mul3A_80 : vector<2048x64xf32>
    %add3A_104 = arith.constant 1.000000e+00 : f32
    %add3A_105 = vector.broadcast %add3A_104 : f32 to vector<2048x64xf32>
    %add3A_106 = arith.addf %mul3A_103, %add3A_105 : vector<2048x64xf32>
    %iota3A_107 = tpu.iota {dimensions = array<i32: 0>} : vector<64x2048xi32>
    %lt3A = arith.constant 32 : i32
    %lt3A_108 = vector.broadcast %lt3A : i32 to vector<64x2048xi32>
    %lt3A_109 = arith.cmpi slt, %iota3A_107, %lt3A_108 : vector<64x2048xi32>
    %broadcast_in_dim3A_110 = vector.shape_cast %slice3A_11 : vector<1x2048xi32> to vector<1x2048xi32>
    %broadcast_in_dim3A_111 = vector.broadcast %broadcast_in_dim3A_110 : vector<1x2048xi32> to vector<64x2048xi32>
    %broadcast_in_dim3A_112 = vector.shape_cast %slice3A_18 : vector<1x2048xi32> to vector<1x2048xi32>
    %broadcast_in_dim3A_113 = vector.broadcast %broadcast_in_dim3A_112 : vector<1x2048xi32> to vector<64x2048xi32>
    %select_n3A = arith.select %lt3A_109, %broadcast_in_dim3A_111, %broadcast_in_dim3A_113 : vector<64x2048xi1>, vector<64x2048xi32>
    %and3A = arith.constant 31 : i32
    %and3A_114 = vector.broadcast %and3A : i32 to vector<64x2048xi32>
    %and3A_115 = arith.andi %iota3A_107, %and3A_114 : vector<64x2048xi32>
    %eq3A_116 = arith.cmpi eq, %and3A_115, %select_n3A : vector<64x2048xi32>
    %convert_element_type3A_117 = arith.extui %eq3A_116 : vector<64x2048xi1> to vector<64x2048xi32>
    %convert_element_type3A_118 = arith.sitofp %convert_element_type3A_117 : vector<64x2048xi32> to vector<64x2048xf32>
    %get3A_119 = arith.constant 0 : index
    %get3A_120 = arith.constant 0 : index
    %get3A_121 = arith.constant 0 : index
    %get3A_122 = arith.constant 0 : index
    %get3A_123 = vector.load %arg6[%get3A_119, %get3A_120, %get3A_121, %get3A_122] : memref<1x1x32x32xf32, #tpu.memory_space<vmem>>, vector<1x1x32x32xf32>
    %get3A_124 = vector.shape_cast %get3A_123 : vector<1x1x32x32xf32> to vector<32x32xf32>
    %get3A_125 = arith.constant 0 : index
    %get3A_126 = arith.constant 0 : index
    %get3A_127 = vector.load %arg12[%get3A_125, %get3A_126] : memref<64x32xf32, #tpu.memory_space<vmem>>, vector<32x32xf32>
    %dot_general3A_128 = arith.constant dense<0.000000e+00> : vector<32x32xf32>
    %dot_general3A_129 = tpu.matmul %get3A_124, %get3A_127, %dot_general3A_128 {dimension_numbers = #tpu.dot_dimension_numbers<[1], [0], [0], [1], [0, 0, 1, 1], [], []>, transpose_lhs_hint = false} : vector<32x32xf32>, vector<32x32xf32>, vector<32x32xf32> -> vector<32x32xf32>
    %get3A_130 = arith.constant 0 : index
    %get3A_131 = arith.constant 0 : index
    %get3A_132 = arith.constant 0 : index
    %get3A_133 = arith.constant 0 : index
    %get3A_134 = vector.load %arg6[%get3A_130, %get3A_131, %get3A_132, %get3A_133] : memref<1x1x32x32xf32, #tpu.memory_space<vmem>>, vector<1x1x32x32xf32>
    %get3A_135 = vector.shape_cast %get3A_134 : vector<1x1x32x32xf32> to vector<32x32xf32>
    %get3A_136 = arith.constant 32 : index
    %get3A_137 = arith.constant 0 : index
    %get3A_138 = vector.load %arg12[%get3A_136, %get3A_137] : memref<64x32xf32, #tpu.memory_space<vmem>>, vector<32x32xf32>
    %dot_general3A_139 = arith.constant dense<0.000000e+00> : vector<32x32xf32>
    %dot_general3A_140 = tpu.matmul %get3A_135, %get3A_138, %dot_general3A_139 {dimension_numbers = #tpu.dot_dimension_numbers<[1], [0], [0], [1], [0, 0, 1, 1], [], []>, transpose_lhs_hint = false} : vector<32x32xf32>, vector<32x32xf32>, vector<32x32xf32> -> vector<32x32xf32>
    %concatenate3A_141 = tpu.concatenate %dot_general3A_129, %dot_general3A_140 in 0 : vector<32x32xf32>, vector<32x32xf32> -> vector<64x32xf32>
    %dot_general3A_142 = arith.constant dense<0.000000e+00> : vector<2048x32xf32>
    %dot_general3A_143 = tpu.matmul %convert_element_type3A_118, %concatenate3A_141, %dot_general3A_142 {dimension_numbers = #tpu.dot_dimension_numbers<[0], [0], [1], [1], [0, 1, 1, 1], [], []>, transpose_lhs_hint = false} : vector<64x2048xf32>, vector<64x32xf32>, vector<2048x32xf32> -> vector<2048x32xf32>
    %broadcast_in_dim3A_144 = arith.constant 0.000000e+00 : f32
    %broadcast_in_dim3A_145 = vector.broadcast %broadcast_in_dim3A_144 : f32 to vector<2048x32xf32>
    %concatenate3A_146 = tpu.concatenate %dot_general3A_42, %broadcast_in_dim3A_145, %add3A_106, %dot_general3A_143 in 1 : vector<2048x128xf32>, vector<2048x32xf32>, vector<2048x64xf32>, vector<2048x32xf32> -> vector<2048x256xf32>
    %add3A_147 = arith.addf %concatenate3A_146, %dot_general3A_31 : vector<2048x256xf32>
    %swap3A = arith.constant 0 : index
    %swap3A_148 = arith.constant 0 : index
    %swap3A_149 = arith.constant 0 : index
    %swap3A_150 = arith.constant 0 : index
    %swap3A_151 = vector.load %arg14[%swap3A, %swap3A_148, %swap3A_149, %swap3A_150] : memref<1x1x2048x256xf32, #tpu.memory_space<vmem>>, vector<1x1x2048x256xf32>
    %swap3A_152 = vector.shape_cast %swap3A_151 : vector<1x1x2048x256xf32> to vector<2048x256xf32>
    %swap3A_153 = vector.shape_cast %add3A_147 : vector<2048x256xf32> to vector<1x1x2048x256xf32>
    tpu.vector_store %arg14[%swap3A, %swap3A_148, %swap3A_149, %swap3A_150], %swap3A_153 {strides = array<i32>} : memref<1x1x2048x256xf32, #tpu.memory_space<vmem>>, vector<1x1x2048x256xf32>,
    return
  }
  func.func @transform_0(%arg0: i32, %arg1: i32) -> (i32, i32, i32, i32) {
    %c0_i32 = arith.constant 0 : i32
    %c0_i32_0 = arith.constant 0 : i32
    %c0_i32_1 = arith.constant 0 : i32
    return %arg0, %arg1, %c0_i32, %c0_i32_0 : i32, i32, i32, i32
  }
  func.func @transform_1(%arg0: i32, %arg1: i32) -> (i32, i32, i32, i32) {
    %c0_i32 = arith.constant 0 : i32
    %c0_i32_0 = arith.constant 0 : i32
    %c0_i32_1 = arith.constant 0 : i32
    return %arg0, %arg1, %c0_i32, %c0_i32_0 : i32, i32, i32, i32
  }
  func.func @transform_2(%arg0: i32, %arg1: i32) -> (i32, i32, i32, i32) {
    %c0_i32 = arith.constant 0 : i32
    %c0_i32_0 = arith.constant 0 : i32
    %c0_i32_1 = arith.constant 0 : i32
    return %arg0, %arg1, %c0_i32, %c0_i32_0 : i32, i32, i32, i32
  }
  func.func @transform_3(%arg0: i32, %arg1: i32) -> (i32, i32, i32, i32) {
    %c0_i32 = arith.constant 0 : i32
    %c0_i32_0 = arith.constant 0 : i32
    %c0_i32_1 = arith.constant 0 : i32
    return %arg0, %arg1, %c0_i32, %c0_i32_0 : i32, i32, i32, i32
  }
  func.func @transform_4(%arg0: i32, %arg1: i32) -> (i32, i32, i32, i32) {
    %c0_i32 = arith.constant 0 : i32
    %c0_i32_0 = arith.constant 0 : i32
    %c0_i32_1 = arith.constant 0 : i32
    return %arg0, %arg1, %c0_i32, %c0_i32_0 : i32, i32, i32, i32
  }
  func.func @transform_5(%arg0: i32, %arg1: i32) -> (i32, i32) {
    %c0_i32 = arith.constant 0 : i32
    %c0_i32_0 = arith.constant 0 : i32
    %c0_i32_1 = arith.constant 0 : i32
    return %c0_i32, %c0_i32_0 : i32, i32
  }
  func.func @transform_6(%arg0: i32, %arg1: i32) -> (i32, i32) {
    %c0_i32 = arith.constant 0 : i32
    %c0_i32_0 = arith.constant 0 : i32
    %c0_i32_1 = arith.constant 0 : i32
    return %c0_i32, %c0_i32_0 : i32, i32
  }
  func.func @transform_7(%arg0: i32, %arg1: i32) -> (i32, i32) {
    %c0_i32 = arith.constant 0 : i32
    %c0_i32_0 = arith.constant 0 : i32
    %c0_i32_1 = arith.constant 0 : i32
    return %c0_i32, %c0_i32_0 : i32, i32
  }
  func.func @transform_8(%arg0: i32, %arg1: i32) -> (i32, i32) {
    %c0_i32 = arith.constant 0 : i32
    %c0_i32_0 = arith.constant 0 : i32
    %c0_i32_1 = arith.constant 0 : i32
    return %c0_i32, %c0_i32_0 : i32, i32
  }
  func.func @transform_9(%arg0: i32, %arg1: i32) -> (i32, i32) {
    %c0_i32 = arith.constant 0 : i32
    %c0_i32_0 = arith.constant 0 : i32
    %c0_i32_1 = arith.constant 0 : i32
    return %c0_i32, %c0_i32_0 : i32, i32
  }
  func.func @transform_10(%arg0: i32, %arg1: i32) -> (i32, i32) {
    %c0_i32 = arith.constant 0 : i32
    %c0_i32_0 = arith.constant 0 : i32
    %c0_i32_1 = arith.constant 0 : i32
    return %c0_i32, %c0_i32_0 : i32, i32
  }
  func.func @transform_11(%arg0: i32, %arg1: i32) -> (i32, i32) {
    %c0_i32 = arith.constant 0 : i32
    %c0_i32_0 = arith.constant 0 : i32
    %c0_i32_1 = arith.constant 0 : i32
    return %c0_i32, %c0_i32_0 : i32, i32
  }
  func.func @transform_12(%arg0: i32, %arg1: i32) -> (i32, i32, i32, i32) {
    %c0_i32 = arith.constant 0 : i32
    %c0_i32_0 = arith.constant 0 : i32
    %c0_i32_1 = arith.constant 0 : i32
    return %arg0, %arg1, %c0_i32, %c0_i32_0 : i32, i32, i32, i32
  }
}

</mosaic_0001>

<sc_bundles>
// kernel: kernel.4.cloned.1.call-start
scs
__scs_entry_jumppad:
0x0: {  	(pc) =	sbr.rel $0x88, $3  }
0x1: {  	(tag) =	ssettag $0x0;
	lr =	simm.s32 $0x1  }
0x2: {  	[smem:$0x3F8F] =	sst lr;
	_ =	strace $0xD0000000  }
0x3: {  	_ = 	snop  }
0x4: {  	_ = 	snop  }
0x5: {  	_ = 	snop  }
0x6: {  	_ = 	snop  }
0x7: {  	_ = 	snop  }
__scs_overlays_trampoline_lowered:
0x8: {  	[smem:$0x3F9E] =	sst s0  }
0x9: {  	[smem:$0x3F9F] =	sst s1  }
0xa: {  	[smem:$0x3FA0] =	sst s2  }
0xb: {  	[smem:$0x3FA1] =	sst s3  }
0xc: {  	[smem:$0x3FA2] =	sst s4  }
0xd: {  	[smem:$0x3FA3] =	sst s5  }
0xe: {  	[smem:$0x3FA4] =	sst s6  }
0xf: {  	[smem:$0x3FA5] =	sst s7  }
0x10: {  	[smem:$0x3FA6] =	sst s8  }
0x11: {  	[smem:$0x3FA7] =	sst s9;
	s0 =	simm.s32 @!p0 $0x0  }
0x12: {  	s1 =	sld [smem:$0x3F8D];
	s0 =	simm.s32 @p0 $0x1  }
0x13: {  	[smem:$0x3FA8] =	sst s0;
	s0 =	simm.s32 @!p1 $0x0  }
0x14: {  	s2 =	sld [smem:$0x3F8C];
	s0 =	simm.s32 @p1 $0x1  }
0x15: {  	[smem:$0x3FA9] =	sst s0;
	s0 =	simm.s32 @!p2 $0x0  }
0x16: {  	s3 =	sld [smem:$0x3FDB];
	s0 =	simm.s32 @p2 $0x1  }
0x17: {  	s4 =	simm.s32 $0x1BF5;
	[smem:$0x3FAB] =	sst s0  }
0x18: {  	s0 =	sld [smem:$0x3F8E];
	_ =	swait.ge [sflag:s4], $0x0  }
0x19: {  	s7 =	sld [smem:$0x3F8F]  }
0x1a: {  	s8 =	sadd.s32 $0xFFFFE003, lr  }
0x1b: {  	s9 =	sadd.s32 $0xFFFFFEF7, lr;
	s5 =	simm.s32 $0xFFFFFFFF;
	p2 =	slt.u32 s8, $0xFFFFF086  }
0x1c: {  	p1 =	slt.u32 s9, $0xF7A;
	s5 =	simm.s32 @!p2 $0x0  }
0x1d: {  	s5 =	simm.s32 @p1 $0x1;
	p0 =	seq.s32 s7, s2  }
0x1e: {  	s7 =	smul.u32 @!p0 $0xF7A, s2;
	p2 =	seq.s32 @!p0 s5, $0x0  }
0x1f: {  	s9 =	smul.u32 $0xF7A, s1;
	s8 =	simm.s32 @!p0 $0x1BF5;
	p2 =	por !p2, p0  }
0x20: {  	[sflag:s8] =	ssyncset.s32 @!p0 $0xFFFFF086;
	s6 =	sadd.s32 @!p0 s3, s7;
	s7 =	simm.s32 @!p0 $0x108  }
0x21: {  	s3 =	sadd.s32 s3, s9;
	s6 =	sadd.s32 @!p0 $0x88, s6;
	s7 =	simm.s32 @p2 $0x1082  }
0x22: {  	[simem:s7], [sflag:s8] =	dma.local @!p0 [hbm:s6], $0xF7A  }
0x23: {  	s9 =	sor.u32 $0xD0000000, s2;
	s6 =	simm.s32 $0x108;
	_ =	swait.ge @!p0 [sflag:s8], $0x0  }
0x24: {  	s3 =	sadd.s32 $0x88, s3;
	s6 =	simm.s32 @!p1 $0x1082;
	[sflag:s4] =	ssyncset.s32 $0xFFFFF086  }
0x25: {  	[simem:s6], [sflag:s4] =	dma.local [hbm:s3], $0xF7A  }
0x26: {  	[smem:$0x3F8F] =	sst s1;
	(tag) =	ssettag s2;
	_ =	strace s9  }
0x27: {  	s1 =	sld [smem:$0x3F9F]  }
0x28: {  	s2 =	sld [smem:$0x3FA0]  }
0x29: {  	s4 =	sld [smem:$0x3FA2]  }
0x2a: {  	p0 =	seq.s32 s5, $0x0;
	s5 =	sld [smem:$0x3FA3]  }
0x2b: {  	s6 =	sld [smem:$0x3FA4]  }
0x2c: {  	s7 =	sld [smem:$0x3FA5]  }
0x2d: {  	s3 =	simm.s32 $0x108;
	s8 =	sld [smem:$0x3FA6]  }
0x2e: {  	s3 =	simm.s32 @!p0 $0x1082;
	s9 =	sld [smem:$0x3FA7]  }
0x2f: {  	lr =	sadd.s32 s0, s3;
	s0 =	sld [smem:$0x3F9E]  }
0x30: {  	s3 =	sld [smem:$0x3FA1]  }
0x31: {  	[smem:$0x3FAA] =	sst s10  }
0x32: {  	s10 =	sld [smem:$0x3FA8];
	_ =	sdelay $0x3  }
0x33: {  	p0 =	seq.s32 s10, $0x1;
	s10 =	sld [smem:$0x3FAA];
	_ =	sdelay $0x3  }
0x34: {  	[smem:$0x3FAA] =	sst s10  }
0x35: {  	s10 =	sld [smem:$0x3FA9];
	_ =	sdelay $0x3  }
0x36: {  	p1 =	seq.s32 s10, $0x1;
	s10 =	sld [smem:$0x3FAA];
	_ =	sdelay $0x3  }
0x37: {  	[smem:$0x3FAA] =	sst s10  }
0x38: {  	s10 =	sld [smem:$0x3FAB]  }
0x39: {  	_ = 	snop;
	(pc) =	sbr.ind lr, $3  }
0x3a: {  	_ = 	snop  }
0x3b: {  	_ = 	snop  }
0x3c: {  	p2 =	seq.s32 s10, $0x1;
	s10 =	sld [smem:$0x3FAA]  }
0x3d: {  	_ =	shalt  }
0x3e: {  	_ =	shalt  }
0x3f: {  	_ =	shalt  }
0x40: {  	_ =	shalt  }
0x41: {  	_ =	shalt  }
0x42: {  	_ =	shalt  }
0x43: {  	_ =	shalt  }
0x44: {  	_ =	shalt  }
0x45: {  	_ =	shalt  }
0x46: {  	_ =	shalt  }
0x47: {  	_ =	shalt  }
0x48: {  	_ =	shalt  }
0x49: {  	_ =	shalt  }
0x4a: {  	_ =	shalt  }
0x4b: {  	_ =	shalt  }
0x4c: {  	_ =	shalt  }
0x4d: {  	_ =	shalt  }
0x4e: {  	_ =	shalt  }
0x4f: {  	_ =	shalt  }
0x50: {  	_ =	shalt  }
0x51: {  	_ =	shalt  }
0x52: {  	_ =	shalt  }
0x53: {  	_ =	shalt  }
0x54: {  	_ =	shalt  }
0x55: {  	_ =	shalt  }
0x56: {  	_ =	shalt  }
0x57: {  	_ =	shalt  }
0x58: {  	_ =	shalt  }
0x59: {  	_ =	shalt  }
0x5a: {  	_ =	shalt  }
0x5b: {  	_ =	shalt  }
0x5c: {  	_ =	shalt  }
0x5d: {  	_ =	shalt  }
0x5e: {  	_ =	shalt  }
0x5f: {  	_ =	shalt  }
0x60: {  	_ =	shalt  }
0x61: {  	_ =	shalt  }
0x62: {  	_ =	shalt  }
0x63: {  	_ =	shalt  }
0x64: {  	_ =	shalt  }
0x65: {  	_ =	shalt  }
0x66: {  	_ =	shalt  }
0x67: {  	_ =	shalt  }
0x68: {  	_ =	shalt  }
0x69: {  	_ =	shalt  }
0x6a: {  	_ =	shalt  }
0x6b: {  	_ =	shalt  }
0x6c: {  	_ =	shalt  }
0x6d: {  	_ =	shalt  }
0x6e: {  	_ =	shalt  }
0x6f: {  	_ =	shalt  }
0x70: {  	_ =	shalt  }
0x71: {  	_ =	shalt  }
0x72: {  	_ =	shalt  }
0x73: {  	_ =	shalt  }
0x74: {  	_ =	shalt  }
0x75: {  	_ =	shalt  }
0x76: {  	_ =	shalt  }
0x77: {  	_ =	shalt  }
0x78: {  	_ =	shalt  }
0x79: {  	_ =	shalt  }
0x7a: {  	_ =	shalt  }
0x7b: {  	_ =	shalt  }
0x7c: {  	_ =	shalt  }
0x7d: {  	_ =	shalt  }
0x7e: {  	_ =	shalt  }
0x7f: {  	_ =	shalt  }
0x80: {  	_ =	shalt  }
0x81: {  	_ =	shalt  }
0x82: {  	_ =	shalt  }
0x83: {  	_ =	shalt  }
0x84: {  	_ =	shalt  }
0x85: {  	_ =	shalt  }
0x86: {  	_ =	shalt  }
0x87: {  	_ =	shalt  }
.Lfunc_end0:
.L_simem_size_0:
called_computation_lowered:
.L_overlay_start_0:
0x88: {  	s2 =	sld [smem:$0x3FD9]  }
0x89: {  	s3 =	sld [smem:$0x3FFE];
	_ =	sdelay $0x1  }
0x8a: {  	s1 =	srdreg.scid  }
0x8b: {  	s0 =	sand.u32 $0x1, s1  }
0x8c: {  	s17 =	sshll.u32 s0, $0xA;
	s2 =	sadd.s32 s3, s2  }
0x8d: {  	s2 =	sadd.s32 s2, s17  }
0x8e: {  	[smem:$0x3FB6] =	sst s2  }
0x8f: {  	_ = 	snop  }
0x90: {  	s2 =	sld [smem:$0x3FD0];
	(tm) =	ssettm $0x1  }
0x91: {  	s18 =	sld [smem:$0x3FFB];
	_ =	sdelay $0x3  }
0x92: {  	_ =	strace s18  }
0x93: {  	s3 =	sld [smem:$0x3FFC];
	_ =	sdelay $0x3  }
0x94: {  	_ =	strace s3  }
0x95: {  	s3 =	sld [smem:$0x3FFD];
	_ =	sdelay $0x3  }
0x96: {  	_ =	strace s3  }
0x97: {  	_ =	strace $0x8FFFFFFF  }
0x98: {  	s19 =	sld [smem:$0x3FDB];
	_ =	sdelay $0x1  }
0x99: {  	s4 =	simm.s32 $_scs_section_size  }
0x9a: {  	s5 =	simm.s32 $_size__tile_overlayer_lowered;
	s6 =	simm.s32 $_tile_overlayer_lowered  }
0x9b: {  	s22 =	simm.s32 $0x1BFF;
	s21 =	sshll.u32 s6, $0x1;
	s3 =	sadd.s32 s4, s19  }
0x9c: {  	s7 =	simm.s32 $0x0;
	s20 =	sshll.u32 s5, $0x1;
	s5 =	sadd.s32 s21, s3  }
0x9d: {  	[timem:s7], [sflag:s22] =	dma.local [hbm:s5], s20  }
0x9e: {  	_ =	swait.ge [sflag:s22], s20  }
0x9f: {  	s4 =	ssub.s32 $0x0, s20;
	[sflag:s22] =	ssyncset.done $0x0  }
0xa0: {  	[sflag:s22] =	ssyncadd.s32 s4;
	_ =	sdelay $0x1  }
0xa1: {  	s23 =	simm.s32 $0x1B8B  }
0xa2: {  	_ =	swait.ge [sflag:s23], $0x1  }
0xa3: {  	[sflag:s23] =	ssyncset.done $0x0  }
0xa4: {  	s25 =	simm.s32 $0x1B8E;
	s24 =	sld [smem:$0x3FFE];
	[sflag:s23] =	ssyncadd.s32 $0xFFFFFFFF  }
0xa5: {  	s26 =	simm.s32 $execute0_lowered;
	[smem:$0x3FD2] =	sst s25  }
0xa6: {  	s5 =	sshll.u32 s26, $0x1;
	_ =	strace $0x80000046;
	[dreg:$0x1] =	wrdreg $0xFFFFFFFF  }
0xa7: {  	s28 =	simm.s32 $_size_execute0_lowered;
	s3 =	sadd.s32 s3, s5;
	[dreg:$0x0] =	wrdreg $0x0  }
0xa8: {  	s5 =	sshll.u32 s28, $0x1;
	[dreg:$0x2] =	wrdreg s3  }
0xa9: {  	[dreg:$0x3] =	wrdreg s5  }
0xaa: {  	[dreg:$0x4] =	wrdreg $0xC0  }
0xab: {  	_ =	task [dreg:s7], $0x5FFFF  }
0xac: {  	[dreg:$0x1] =	wrdreg $0xFFFFFFFF  }
0xad: {  	[dreg:$0x0] =	wrdreg $0x60  }
0xae: {  	[dreg:$0x2] =	wrdreg s24  }
0xaf: {  	[dreg:$0x3] =	wrdreg s2  }
0xb0: {  	[dreg:$0x4] =	wrdreg $0x9  }
0xb1: {  	_ =	task.clear_ibuf [dreg:s7], $0x5FFFF;
	_ =	strace $0x90000046  }
0xb2: {  	s29 =	simm.s32 $0x9;
	_ =	strace $0x80000048  }
0xb3: {  	_ =	swait.ge [sflag:s29], $0x1  }
0xb4: {  	[sflag:s29] =	ssyncadd.s32 $0xFFFFFFFF  }
0xb5: {  	_ =	strace $0x90000048  }
0xb6: {  	_ =	sfence  }
0xb7: {  	s30 =	sld [smem:$0x0];
	_ =	sdelay $0x2  }
0xb8: {  	s31 =	sshll.u32 s1, $0xD;
	s1 =	sshrl.u32 s1, $0x2  }
0xb9: {  	s3 =	sand.u32 $0x4000, s31;
	s1 =	sadd.s32 s1, s30  }
0xba: {  	s0 =	sor.u32 s3, s0;
	s1 =	sshll.u32 s1, $0x11  }
0xbb: {  	s0 =	sor.u32 s1, s0  }
0xbc: {  	s0 =	sadd.s32 $0x8F2B, s0  }
0xbd: {  	[sflag:s0] =	ssyncadd.remote.s32 $0x1  }
0xbe: {  	_ =	sfence.sel $0xFFFF  }
0xbf: {  	[dreg:$0x0] =	wrdreg $0xFFFFFFFF;
	(pc) =	sbr.abs _section_cstart, $3  }
0xc0: {  	[dreg:$0x1] =	wrdreg $0xFFFFFFFF  }
0xc1: {  	_ =	task.clear_ibuf [dreg:s7], $0x2FFFF;
	_ =	strace $0x9FFFFFFF  }
0xc2: {  	(tm) =	ssettm $0x7FFFFFFF  }
0xc3: {  	_ =	shalt  }
tec
execute0_lowered:
.L_overlay_start_1:
0x0: {  	(tag) =	ssettag $0x1  }
0x1: {  	s4 =	rddreg [dreg:$0x0]  }
0x2: {  	s2 =	rddreg [dreg:$0x1]  }
0x3: {  	s0 =	rddreg [dreg:$0x2];
	s5 =	srdreg.scid  }
0x4: {  	s1 =	stileid.u32;
	s3 =	simm.s32 $0x0;
	s11 =	simm.s32 $0x1000  }
0x5: {  	s12 =	simm.s32 $0x5000;
	s13 =	simm.s32 $0x1;
	s14 =	simm.s32 $0x2  }
0x6: {  	s15 =	simm.s32 $0x0;
	s7 =	sand.u32 $0x1, s5;
	s28 =	sshll.u32 s1, $0x1  }
0x7: {  	[smem:$0x7FF] =	sst s3;
	s9 =	sadd.s32 $0x6200, s4;
	s30 =	sshll.u32 s1, $0x11  }
0x8: {  	s5 =	sor.u32 s7, s28;
	_ =	strace $0x80000047;
	s8 =	ssub.s32 $0x2, s7  }
0x9: {  	s31 =	sshll.u32 s7, $0x10;
	s6 =	sshll.u32 s5, $0x9;
	s29 =	sshrl.u32 s8, $0x1  }
0xa: {  	s5 =	sshll.u32 s5, $0x10;
	s6 =	sadd.s32 s6, s4;
	s8 =	ssub.s32 s8, s29  }
0xb: {  	s10 =	sadd.s32 s9, s5;
	s4 =	sadd.s32 $0x2200, s6;
	s5 =	smax.u32 s8, $0x1  }
0xc: {  	s6 =	sadd.s32 $0xF000, s10;
	s8 =	sadd.s32 s30, s9;
	s7 =	sadd.s32 $0xF800, s10  }
0xd: {  	s9 =	simm.s32 $0x3;
	s10 =	simm.s32 $0x80;
	s8 =	sadd.s32 s31, s8  }
.LBB2_1:
0xe: {  	[tilespmem:s3], [sflag:$0x3] =	stream.linear.gather [hbm4b:s4+s3], $0x1000, $0x38;
	[tilespmem:$0x9000] =	vst v63  }
0xf: {  	_ =	swait.ge [sflag:s9], $0x1000  }
0x10: {  	[sflag:s9] =	ssyncset.done $0x0  }
0x11: {  	[sflag:s9] =	ssyncadd.s32 $0xFFFFF000  }
0x12: {  	[tilespmem:s11], [sflag:$0x1] =	stream.indirect.gather [hbm4b:s2+s10], $0x80, s3, s10, $0xb8;
	[tilespmem:$0x9000] =	vst v63  }
0x13: {  	_ = 	snop  }
0x14: {  	[tilespmem:s12], [sflag:$0x2] =	stream.indirect.gather [hbm4b:s2+s10], $0x80, s10, s10, $0xb8;
	[tilespmem:$0x9000] =	vst v63  }
0x15: {  	_ =	swait.ge [sflag:s13], $0x4000  }
0x16: {  	[sflag:s13] =	ssyncset.done $0x0  }
0x17: {  	s16 =	sadd.s32 $0x0, s8;
	[sflag:s13] =	ssyncadd.s32 $0xFFFFC000  }
0x18: {  	[hbm4b:s16+s3] =	stream.linear.scatter [tilespmem:s11], [sflag:$0x3], $0x4000, $0x38;
	[tilespmem:$0x9000] =	vst v63  }
0x19: {  	_ =	swait.ge [sflag:s9], $0x4000  }
0x1a: {  	[sflag:s9] =	ssyncset.done $0x0  }
0x1b: {  	s17 =	simm.s32 $0x100;
	[sflag:s9] =	ssyncadd.s32 $0xFFFFC000  }
0x1c: {  	[tilespmem:s11], [sflag:$0x1] =	stream.indirect.gather [hbm4b:s2+s10], $0x80, s17, s10, $0xb8;
	[tilespmem:$0x9000] =	vst v63  }
0x1d: {  	_ =	swait.ge [sflag:s14], $0x4000  }
0x1e: {  	[sflag:s14] =	ssyncset.done $0x0  }
0x1f: {  	s16 =	sadd.s32 $0x800, s16;
	[sflag:s14] =	ssyncadd.s32 $0xFFFFC000  }
0x20: {  	[hbm4b:s16+s3] =	stream.linear.scatter [tilespmem:s12], [sflag:$0x3], $0x4000, $0x38;
	[tilespmem:$0x9000] =	vst v63  }
0x21: {  	_ =	swait.ge [sflag:s9], $0x4000  }
0x22: {  	s18 =	simm.s32 $0x280;
	[sflag:s9] =	ssyncset.done $0x0  }
0x23: {  	s17 =	simm.s32 $0x1000;
	s16 =	simm.s32 $0x180;
	[sflag:s9] =	ssyncadd.s32 $0xFFFFC000  }
.LBB2_2:
0x24: {  	[tilespmem:s12], [sflag:$0x2] =	stream.indirect.gather [hbm4b:s2+s10], $0x80, s16, s10, $0xb8;
	[tilespmem:$0x9000] =	vst v63  }
0x25: {  	s19 =	smov.u32 s17;
	s16 =	smov.u32 s18  }
0x26: {  	p0 =	sne.s32 s17, $0xE000;
	s17 =	sadd.s32 $0x1000, s17;
	_ =	swait.ge [sflag:s13], $0x4000  }
0x27: {  	[sflag:s13] =	ssyncset.done $0x0  }
0x28: {  	s19 =	sadd.s32 s19, s8;
	[sflag:s13] =	ssyncadd.s32 $0xFFFFC000  }
0x29: {  	[hbm4b:s19+s3] =	stream.linear.scatter [tilespmem:s11], [sflag:$0x3], $0x4000, $0x38;
	[tilespmem:$0x9000] =	vst v63  }
0x2a: {  	_ =	swait.ge [sflag:s9], $0x4000  }
0x2b: {  	[sflag:s9] =	ssyncset.done $0x0  }
0x2c: {  	s20 =	sadd.s32 $0xFFFFFF80, s18;
	[sflag:s9] =	ssyncadd.s32 $0xFFFFC000  }
0x2d: {  	[tilespmem:s11], [sflag:$0x1] =	stream.indirect.gather [hbm4b:s2+s10], $0x80, s20, s10, $0xb8;
	[tilespmem:$0x9000] =	vst v63  }
0x2e: {  	_ =	swait.ge [sflag:s14], $0x4000  }
0x2f: {  	[sflag:s14] =	ssyncset.done $0x0  }
.Ltmp0:
0x30: {  	s19 =	sadd.s32 $0x800, s19;
	[sflag:s14] =	ssyncadd.s32 $0xFFFFC000;
	(pc) =	sbr.rel @p0 .LBB2_2-.Ltmp0, $4  }
0x31: {  	[hbm4b:s19+s3] =	stream.linear.scatter [tilespmem:s12], [sflag:$0x3], $0x4000, $0x38;
	[tilespmem:$0x9000] =	vst v63  }
0x32: {  	_ =	swait.ge [sflag:s9], $0x4000  }
0x33: {  	[sflag:s9] =	ssyncset.done $0x0  }
0x34: {  	s18 =	sadd.s32 $0x100, s18;
	[sflag:s9] =	ssyncadd.s32 $0xFFFFC000  }
0x35: {  	[tilespmem:s12], [sflag:$0x2] =	stream.indirect.gather [hbm4b:s2+s10], $0x80, s16, s10, $0xb8;
	[tilespmem:$0x9000] =	vst v63  }
0x36: {  	_ =	swait.ge [sflag:s13], $0x4000  }
0x37: {  	[sflag:s13] =	ssyncset.done $0x0  }
0x38: {  	[sflag:s13] =	ssyncadd.s32 $0xFFFFC000  }
0x39: {  	[hbm4b:s6+s3] =	stream.linear.scatter [tilespmem:s11], [sflag:$0x3], $0x4000, $0x38;
	[tilespmem:$0x9000] =	vst v63  }
0x3a: {  	_ =	swait.ge [sflag:s9], $0x4000  }
0x3b: {  	[sflag:s9] =	ssyncset.done $0x0  }
0x3c: {  	[sflag:s9] =	ssyncadd.s32 $0xFFFFC000  }
0x3d: {  	s15 =	sadd.s32 $0x1, s15;
	_ =	swait.ge [sflag:s14], $0x4000  }
0x3e: {  	p0 =	sne.s32 s15, s5;
	[sflag:s14] =	ssyncset.done $0x0  }
.Ltmp1:
0x3f: {  	[sflag:s14] =	ssyncadd.s32 $0xFFFFC000;
	(pc) =	sbr.rel @p0 .LBB2_1-.Ltmp1, $4  }
0x40: {  	[hbm4b:s7+s3] =	stream.linear.scatter [tilespmem:s12], [sflag:$0x3], $0x4000, $0x38;
	[tilespmem:$0x9000] =	vst v63  }
0x41: {  	_ =	swait.ge [sflag:s9], $0x4000  }
0x42: {  	[sflag:s9] =	ssyncset.done $0x0  }
0x43: {  	[sflag:s9] =	ssyncadd.s32 $0xFFFFC000  }
0x44: {  	_ =	sfence.sel $0x180000  }
0x45: {  	[bflag:$0x0] =	sbarrier.arrive $0xFFFF  }
0x46: {  	p0 =	sne.s32 s1, $0x0;
	_ =	strace $0x90000047  }
0x47: {  	s0 =	sadd.s32 @!p0 $0x100000, s0;
	[bflag:$0x2] =	sbarrier.arrive $0xFFFF  }
0x48: {  	[sflag:s0] =	ssyncadd.tile.s32 @!p0 $0x1;
	_ =	shalt  }
.Lfunc_end2:
_tile_overlayer_lowered:
.L_overlay_start_2:
0x49: {  	(tag) =	ssettag $0x2  }
0x4a: {  	s0 =	rddreg [dreg:$0x0];
	s2 =	stileid.u32  }
0x4b: {  	s1 =	rddreg [dreg:$0x1];
	p0 =	sne.s32 s2, $0x0  }
0x4c: {  	s3 =	rddreg [dreg:$0x2];
	[bflag:$0x3] =	sbarrier.arrive $0xFFFF;
	s2 =	simm.s32 @!p0 $0x1C03  }
0x4d: {  	[timem:s3], [sflag:s2] =	dma.local @!p0 [hbm:s0], s1  }
0x4e: {  	s0 =	simm.s32 @!p0 $0x3  }
0x4f: {  	_ =	swait.ge @!p0 [sflag:s0], s1  }
0x50: {  	s1 =	ssub.s32 @!p0 $0x0, s1;
	[sflag:s0] =	ssyncset.done @!p0 $0x0  }
0x51: {  	[sflag:s0] =	ssyncadd.s32 @!p0 s1  }
0x52: {  	[bflag:$0x3] =	sbarrier.arrive $0xFFFF  }
0x53: {  	_ =	shalt  }

</sc_bundles>
